<compile_context>
chip_gen: v7x
topology: tpu7x:2x2x1
jax: 0.10.2.dev20260603
libtpu: 0.0.44.dev20260713+nightly
codegen_flags: <defaults>
</compile_context>

<pallas_src>
import functools

import jax
import jax.numpy as jnp
from jax import lax
from jax.experimental import pallas as pl
from jax.experimental.pallas import tpu as pltpu
from jax.experimental.pallas import tpu_sc as plsc

B = 1024
K = 100000
D = 1024
ES_DIM = 101
TOP_K = 70
TEMP = 0.04
H1, H2 = 256, 128

KBLK = 1024
KGRID = (K + KBLK - 1) // KBLK

IDX_PAD = 72
W_PAD = 96
SEL_PAD = 112

NC, NS = 2, 16
NW = NC * NS
QPW = B // NW



def _sims_body(q_ref, db_ref, o_ref, qn_ref):
    k = pl.program_id(0)

    @pl.when(k == 0)
    def _():
        q = q_ref[...]
        n = jnp.sqrt(jnp.sum(q * q, axis=1, keepdims=True))
        qn_ref[...] = q / jnp.maximum(n, 1e-12)

    db = db_ref[...]
    n = jnp.sqrt(jnp.sum(db * db, axis=1, keepdims=True))
    dbn = db / jnp.maximum(n, 1e-12)
    sims = lax.dot_general(qn_ref[...], dbn, (((1,), (1,)), ((), ())),
                           preferred_element_type=jnp.float32,
                           precision=lax.Precision.DEFAULT)
    col = k * KBLK + lax.broadcasted_iota(jnp.int32, (B, KBLK), 1)
    o_ref[...] = jnp.where(col < K, sims, -2.0)


def _sims(en, db):
    return pl.pallas_call(
        _sims_body,
        grid=(KGRID,),
        in_specs=[
            pl.BlockSpec((B, D), lambda k: (0, 0)),
            pl.BlockSpec((KBLK, D), lambda k: (k, 0)),
        ],
        out_specs=pl.BlockSpec((B, KBLK), lambda k: (0, k)),
        out_shape=jax.ShapeDtypeStruct((B, K), jnp.float32),
        scratch_shapes=[pltpu.VMEM((B, D), jnp.float32)],
    )(en, db)



def _gather_kernel(es_hbm, idx_hbm, w_hbm, sel_hbm, out_hbm,
                   sel_v, idx_v, w_v, rows_v, out_v, sem):
    wid = lax.axis_index("s") * NC + lax.axis_index("c")
    pltpu.sync_copy(sel_hbm, sel_v)

    def per_query(q, carry):
        qi = wid * QPW + q
        pltpu.sync_copy(idx_hbm.at[qi], idx_v)
        pltpu.sync_copy(w_hbm.at[qi], w_v)
        pltpu.async_copy(es_hbm.at[idx_v], rows_v, sem).wait()
        for c in range(SEL_PAD // 16):
            sel_c = sel_v[pl.ds(c * 16, 16)]

            def body(j, acc):
                g = plsc.load_gather(rows_v.at[j], [sel_c])
                wj = w_v[pl.ds(j, 16)][0]
                return acc + wj * g

            acc = lax.fori_loop(0, TOP_K, body, jnp.zeros((16,), jnp.float32))
            out_v[pl.ds(c * 16, 16)] = acc
        pltpu.sync_copy(out_v, out_hbm.at[qi])
        return carry

    lax.fori_loop(0, QPW, per_query, 0)


def _weighted_gather(es_db, idx72, w72, sel112):
    kern = pl.kernel(
        _gather_kernel,
        out_type=jax.ShapeDtypeStruct((B, SEL_PAD), jnp.float32),
        mesh=plsc.VectorSubcoreMesh(core_axis_name="c", subcore_axis_name="s"),
        compiler_params=pltpu.CompilerParams(use_tc_tiling_on_sc=False,
                                             needs_layout_passes=False),
        scratch_types=[
            pltpu.VMEM((SEL_PAD,), jnp.int32),
            pltpu.VMEM((IDX_PAD,), jnp.int32),
            pltpu.VMEM((W_PAD,), jnp.float32),
            pltpu.VMEM((IDX_PAD, D), jnp.float32),
            pltpu.VMEM((SEL_PAD,), jnp.float32),
            pltpu.SemaphoreType.DMA,
        ],
    )
    return kern(es_db, idx72, w72, sel112)



def _ln(x, g, b):
    mu = jnp.mean(x, axis=-1, keepdims=True)
    var = jnp.mean((x - mu) ** 2, axis=-1, keepdims=True)
    return (x - mu) / jnp.sqrt(var + 1e-5) * g + b


def _gelu(x):
    return x * 0.5 * (1.0 + lax.erf(x * 0.7071067811865476))


def _mlp_body(en_ref, es_ref, w1a_ref, w1b_ref, b1_ref, g1_ref, be1_ref,
              w2_ref, b2_ref, g2_ref, be2_ref, w3_ref, b3_ref,
              out_ref, delta_ref):
    mm = functools.partial(lax.dot_general,
                           dimension_numbers=(((1,), (0,)), ((), ())),
                           preferred_element_type=jnp.float32,
                           precision=lax.Precision.HIGHEST)
    es = es_ref[...]
    h = mm(en_ref[...], w1a_ref[...]) + mm(es, w1b_ref[...]) + b1_ref[...]
    h = _gelu(_ln(h, g1_ref[...], be1_ref[...]))
    h = mm(h, w2_ref[...]) + b2_ref[...]
    h = _gelu(_ln(h, g2_ref[...], be2_ref[...]))
    delta = mm(h, w3_ref[...]) + b3_ref[...]
    delta_ref[...] = delta
    out_ref[...] = es + delta


def _mlp(en, es112, w1a, w1b, b1, g1, be1, w2, b2, g2, be2, w3, b3):
    return pl.pallas_call(
        _mlp_body,
        out_shape=(jax.ShapeDtypeStruct((B, SEL_PAD), jnp.float32),
                   jax.ShapeDtypeStruct((B, SEL_PAD), jnp.float32)),
    )(en, es112, w1a, w1b, b1, g1, be1, w2, b2, g2, be2, w3, b3)



def kernel(en_1024, en_db, es_db, W1, b1, g1, be1, W2, b2, g2, be2, W3, b3, sel_idx):
    sims = _sims(en_1024, en_db)
    top_sims, top_idx = lax.top_k(sims, TOP_K)
    w = jax.nn.softmax(top_sims / TEMP, axis=-1)

    idx72 = jnp.pad(top_idx.astype(jnp.int32), ((0, 0), (0, IDX_PAD - TOP_K)))
    w96 = jnp.pad(w, ((0, 0), (0, W_PAD - TOP_K)))
    sel112 = jnp.pad(sel_idx.astype(jnp.int32), (0, SEL_PAD - ES_DIM))

    es112 = _weighted_gather(es_db, idx72, w96, sel112)
    es112 = jnp.sum(jnp.take(es_db, top_idx, axis=0) * w[..., None], axis=1)[:, sel112]

    w1a = W1[:D]
    w1b = jnp.pad(W1[D:], ((0, SEL_PAD - ES_DIM), (0, 0)))
    w3p = jnp.pad(W3, ((0, 0), (0, SEL_PAD - ES_DIM)))
    b3p = jnp.pad(b3, (0, SEL_PAD - ES_DIM))
    out112, delta112 = _mlp(en_1024, es112, w1a, w1b,
                            b1[None, :], g1[None, :], be1[None, :],
                            W2, b2[None, :], g2[None, :], be2[None, :],
                            w3p, b3p[None, :])
    return (out112[:, :ES_DIM], es112[:, :ES_DIM], delta112[:, :ES_DIM])

# --- scband reference (transcript-rebuilt; emitter-appended) ---
"""Pipeline reference for scband-retrieval-fusion-model-70849780515093 (READ-ONLY COPY).

The authoritative reference and input builder live on the scoring server;
editing this copy changes nothing except your own understanding.
"""

import jax, jax.numpy as jnp
import numpy as np

B = 1024
K = 100000
D = 1024
ES_DIM = 101
TOP_K = 70
TEMP = 0.04
H1, H2 = 256, 128


def _normalize(x, eps=1e-12):
    n = jnp.linalg.norm(x, axis=-1, keepdims=True)
    return x / jnp.maximum(n, eps)


def _layernorm(x, g, b, eps=1e-5):
    mu = jnp.mean(x, axis=-1, keepdims=True)
    var = jnp.mean((x - mu) ** 2, axis=-1, keepdims=True)
    return (x - mu) / jnp.sqrt(var + eps) * g + b


def setup_inputs(seed: int = 0) -> dict:
    key = jax.random.key(seed)
    ks = jax.random.split(key, 12)
    en_1024 = jax.random.normal(ks[0], (B, D), dtype=jnp.float32)
    en_db = jax.random.normal(ks[1], (K, D), dtype=jnp.float32)
    es_db = jax.random.normal(ks[2], (K, D), dtype=jnp.float32)
    sel_idx = jax.random.randint(ks[3], (ES_DIM,), 0, D).astype(jnp.int64)
    in_dim = D + ES_DIM
    W1 = jax.random.normal(ks[4], (in_dim, H1), dtype=jnp.float32) * (1.0 / np.sqrt(in_dim))
    b1 = jnp.zeros((H1,), dtype=jnp.float32)
    g1 = jnp.ones((H1,), dtype=jnp.float32)
    be1 = jnp.zeros((H1,), dtype=jnp.float32)
    W2 = jax.random.normal(ks[5], (H1, H2), dtype=jnp.float32) * (1.0 / np.sqrt(H1))
    b2 = jnp.zeros((H2,), dtype=jnp.float32)
    g2 = jnp.ones((H2,), dtype=jnp.float32)
    be2 = jnp.zeros((H2,), dtype=jnp.float32)
    W3 = jnp.zeros((H2, ES_DIM), dtype=jnp.float32)  # zero-init per module
    b3 = jnp.zeros((ES_DIM,), dtype=jnp.float32)
    return {"en_1024": en_1024, "en_db": en_db, "es_db": es_db,
            "W1": W1, "b1": b1, "g1": g1, "be1": be1,
            "W2": W2, "b2": b2, "g2": g2, "be2": be2,
            "W3": W3, "b3": b3, "sel_idx": sel_idx}


def reference(en_1024, en_db, es_db, W1, b1, g1, be1, W2, b2, g2, be2, W3, b3, sel_idx):
    # retrieval: cosine similarity + top-k + softmax-weighted gather
    qn = _normalize(en_1024)
    dbn = _normalize(en_db)
    sims = qn @ dbn.T                      # (B, K)
    top_sims, top_idx = jax.lax.top_k(sims, TOP_K)
    w = jax.nn.softmax(top_sims / TEMP, axis=-1)   # (B, TOP_K)
    gathered = jnp.take(es_db, top_idx, axis=0)    # (B, TOP_K, D)
    es_retrieved_1024 = jnp.sum(gathered * w[..., None], axis=1)  # (B, D)
    # feature selection
    es_101 = es_retrieved_1024[:, sel_idx]  # (B, 101)
    # fusion MLP
    feat = jnp.concatenate([en_1024, es_101], axis=-1)
    h = feat @ W1 + b1
    h = _layernorm(h, g1, be1)
    h = jax.nn.gelu(h, approximate=False)
    h = h @ W2 + b2
    h = _layernorm(h, g2, be2)
    h = jax.nn.gelu(h, approximate=False)
    delta = h @ W3 + b3
    out = es_101 + delta
    return (out, es_101, delta)

if __name__ == "__main__":
    import jax
    _d = setup_inputs()
    print(jax.jit(kernel)(*tuple(_d.values())))

</pallas_src>

<mosaic_0001>
module attributes {stable_mosaic.version = 14 : i64} {
  func.func @_sims_body(%arg0: i32, %arg1: memref<1024x1024xf32, #tpu.memory_space<vmem>>, %arg2: memref<1024x1024xf32, #tpu.memory_space<vmem>>, %arg3: memref<1024x1024xf32, #tpu.memory_space<vmem>>, %arg4: memref<1024x1024xf32, #tpu.memory_space<vmem>>) attributes {dimension_semantics = [#tpu.dimension_semantics<arbitrary>], iteration_bounds = array<i64: 98>, scalar_prefetch = 0 : i64, scratch_operands = 1 : i64, tpu.core_type = #tpu.core_type<tc>, window_params = [{pipeline_mode = #tpu.pipeline_mode<synchronous>, transform_indices = @transform_0, window_bounds = array<i64: 1024, 1024>}, {transform_indices = @transform_1, window_bounds = array<i64: 1024, 1024>}, {transform_indices = @transform_2, window_bounds = array<i64: 1024, 1024>}]} {
    %eq3A = arith.constant 0 : i32
    %eq3A_0 = arith.cmpi eq, %arg0, %eq3A : i32
    %convert_element_type3A = arith.extui %eq3A_0 : i1 to i32
    %cond3A = arith.constant 0 : i32
    %cond3A_1 = arith.cmpi ne, %convert_element_type3A, %cond3A : i32
    scf.if %cond3A_1 {
      %get3A_20 = arith.constant 0 : index
      %get3A_21 = arith.constant 0 : index
      %get3A_22 = vector.load %arg1[%get3A_20, %get3A_21] : memref<1024x1024xf32, #tpu.memory_space<vmem>>, vector<1024x1024xf32>
      %mul3A_23 = arith.mulf %get3A_22, %get3A_22 : vector<1024x1024xf32>
      %reduce_sum3A_24 = arith.constant dense<0.000000e+00> : vector<1024xf32>
      %reduce_sum3A_25 = vector.multi_reduction <add>, %mul3A_23, %reduce_sum3A_24 [1] : vector<1024x1024xf32> to vector<1024xf32>
      %broadcast_in_dim3A_26 = vector.shape_cast %reduce_sum3A_25 : vector<1024xf32> to vector<1024x1xf32>
      %sqrt3A_27 = math.sqrt %broadcast_in_dim3A_26 : vector<1024x1xf32>
      %max3A_28 = arith.constant 9.99999996E-13 : f32
      %max3A_29 = vector.broadcast %max3A_28 : f32 to vector<1024x1xf32>
      %max3A_30 = arith.maximumf %sqrt3A_27, %max3A_29 : vector<1024x1xf32>
      %div3A_31 = vector.broadcast %max3A_30 : vector<1024x1xf32> to vector<1024x1024xf32>
      %div3A_32 = arith.divf %get3A_22, %div3A_31 : vector<1024x1024xf32>
      %swap3A_33 = arith.constant 0 : index
      %swap3A_34 = arith.constant 0 : index
      %swap3A_35 = vector.load %arg4[%swap3A_33, %swap3A_34] : memref<1024x1024xf32, #tpu.memory_space<vmem>>, vector<1024x1024xf32>
      tpu.vector_store %arg4[%swap3A_33, %swap3A_34], %div3A_32 {strides = array<i32>} : memref<1024x1024xf32, #tpu.memory_space<vmem>>, vector<1024x1024xf32>,
    } else {
    }
    %get3A = arith.constant 0 : index
    %get3A_2 = arith.constant 0 : index
    %get3A_3 = vector.load %arg2[%get3A, %get3A_2] : memref<1024x1024xf32, #tpu.memory_space<vmem>>, vector<1024x1024xf32>
    %mul3A = arith.mulf %get3A_3, %get3A_3 : vector<1024x1024xf32>
    %reduce_sum3A = arith.constant dense<0.000000e+00> : vector<1024xf32>
    %reduce_sum3A_4 = vector.multi_reduction <add>, %mul3A, %reduce_sum3A [1] : vector<1024x1024xf32> to vector<1024xf32>
    %broadcast_in_dim3A = vector.shape_cast %reduce_sum3A_4 : vector<1024xf32> to vector<1024x1xf32>
    %sqrt3A = math.sqrt %broadcast_in_dim3A : vector<1024x1xf32>
    %max3A = arith.constant 9.99999996E-13 : f32
    %max3A_5 = vector.broadcast %max3A : f32 to vector<1024x1xf32>
    %max3A_6 = arith.maximumf %sqrt3A, %max3A_5 : vector<1024x1xf32>
    %div3A = vector.broadcast %max3A_6 : vector<1024x1xf32> to vector<1024x1024xf32>
    %div3A_7 = arith.divf %get3A_3, %div3A : vector<1024x1024xf32>
    %get3A_8 = arith.constant 0 : index
    %get3A_9 = arith.constant 0 : index
    %get3A_10 = vector.load %arg4[%get3A_8, %get3A_9] : memref<1024x1024xf32, #tpu.memory_space<vmem>>, vector<1024x1024xf32>
    %dot_general3A = arith.constant dense<0.000000e+00> : vector<1024x1024xf32>
    %dot_general3A_11 = tpu.matmul %get3A_10, %div3A_7, %dot_general3A {dimension_numbers = #tpu.dot_dimension_numbers<[1], [1], [0], [0], [0, 0, 1, 0], [], []>, transpose_lhs_hint = false} : vector<1024x1024xf32>, vector<1024x1024xf32>, vector<1024x1024xf32> -> vector<1024x1024xf32>
    %mul3A_12 = arith.constant 1024 : i32
    %mul3A_13 = arith.muli %arg0, %mul3A_12 : i32
    %iota3A = tpu.iota {dimensions = array<i32: 1>} : vector<1024x1024xi32>
    %add3A = vector.broadcast %mul3A_13 : i32 to vector<1024x1024xi32>
    %add3A_14 = arith.addi %add3A, %iota3A : vector<1024x1024xi32>
    %lt3A = arith.constant 100000 : i32
    %lt3A_15 = vector.broadcast %lt3A : i32 to vector<1024x1024xi32>
    %lt3A_16 = arith.cmpi slt, %add3A_14, %lt3A_15 : vector<1024x1024xi32>
    %jit3A = arith.constant -2.000000e+00 : f32
    %broadcast_in_dim3A_17 = vector.broadcast %jit3A : f32 to vector<1024x1024xf32>
    %select_n3A = arith.select %lt3A_16, %dot_general3A_11, %broadcast_in_dim3A_17 : vector<1024x1024xi1>, vector<1024x1024xf32>
    %swap3A = arith.constant 0 : index
    %swap3A_18 = arith.constant 0 : index
    %swap3A_19 = vector.load %arg3[%swap3A, %swap3A_18] : memref<1024x1024xf32, #tpu.memory_space<vmem>>, vector<1024x1024xf32>
    tpu.vector_store %arg3[%swap3A, %swap3A_18], %select_n3A {strides = array<i32>} : memref<1024x1024xf32, #tpu.memory_space<vmem>>, vector<1024x1024xf32>,
    return
  }
  func.func @transform_0(%arg0: i32) -> (i32, i32) {
    %c0_i32 = arith.constant 0 : i32
    %c0_i32_0 = arith.constant 0 : i32
    %c0_i32_1 = arith.constant 0 : i32
    return %c0_i32, %c0_i32_0 : i32, i32
  }
  func.func @transform_1(%arg0: i32) -> (i32, i32) {
    %c0_i32 = arith.constant 0 : i32
    %c0_i32_0 = arith.constant 0 : i32
    return %arg0, %c0_i32 : i32, i32
  }
  func.func @transform_2(%arg0: i32) -> (i32, i32) {
    %c0_i32 = arith.constant 0 : i32
    %c0_i32_0 = arith.constant 0 : i32
    return %c0_i32, %arg0 : i32, i32
  }
}

module attributes {stable_mosaic.version = 14 : i64} {
  func.func @_mlp_body(%arg0: memref<1024x1024xf32, #tpu.memory_space<vmem>>, %arg1: memref<1024x112xf32, #tpu.memory_space<vmem>>, %arg2: memref<1024x256xf32, #tpu.memory_space<vmem>>, %arg3: memref<112x256xf32, #tpu.memory_space<vmem>>, %arg4: memref<1x256xf32, #tpu.memory_space<vmem>>, %arg5: memref<1x256xf32, #tpu.memory_space<vmem>>, %arg6: memref<1x256xf32, #tpu.memory_space<vmem>>, %arg7: memref<256x128xf32, #tpu.memory_space<vmem>>, %arg8: memref<1x128xf32, #tpu.memory_space<vmem>>, %arg9: memref<1x128xf32, #tpu.memory_space<vmem>>, %arg10: memref<1x128xf32, #tpu.memory_space<vmem>>, %arg11: memref<128x112xf32, #tpu.memory_space<vmem>>, %arg12: memref<1x112xf32, #tpu.memory_space<vmem>>, %arg13: memref<1024x112xf32, #tpu.memory_space<vmem>>, %arg14: memref<1024x112xf32, #tpu.memory_space<vmem>>) attributes {dimension_semantics = [], scalar_prefetch = 0 : i64, scratch_operands = 0 : i64, tpu.core_type = #tpu.core_type<tc>} {
    %get3A = arith.constant 0 : index
    %get3A_0 = arith.constant 0 : index
    %get3A_1 = vector.load %arg1[%get3A, %get3A_0] : memref<1024x112xf32, #tpu.memory_space<vmem>>, vector<1024x112xf32>
    %get3A_2 = arith.constant 0 : index
    %get3A_3 = arith.constant 0 : index
    %get3A_4 = vector.load %arg0[%get3A_2, %get3A_3] : memref<1024x1024xf32, #tpu.memory_space<vmem>>, vector<1024x1024xf32>
    %get3A_5 = arith.constant 0 : index
    %get3A_6 = arith.constant 0 : index
    %get3A_7 = vector.load %arg2[%get3A_5, %get3A_6] : memref<1024x256xf32, #tpu.memory_space<vmem>>, vector<1024x256xf32>
    %dot_general3A = arith.constant dense<0.000000e+00> : vector<1024x256xf32>
    %dot_general3A_8 = tpu.matmul %get3A_4, %get3A_7, %dot_general3A {dimension_numbers = #tpu.dot_dimension_numbers<[1], [0], [0], [1], [0, 0, 1, 1], [], []>, precision = #tpu.contract_precision<fp32>, transpose_lhs_hint = false} : vector<1024x1024xf32>, vector<1024x256xf32>, vector<1024x256xf32> -> vector<1024x256xf32>
    %get3A_9 = arith.constant 0 : index
    %get3A_10 = arith.constant 0 : index
    %get3A_11 = vector.load %arg3[%get3A_9, %get3A_10] : memref<112x256xf32, #tpu.memory_space<vmem>>, vector<112x256xf32>
    %dot_general3A_12 = arith.constant dense<0.000000e+00> : vector<1024x256xf32>
    %dot_general3A_13 = tpu.matmul %get3A_1, %get3A_11, %dot_general3A_12 {dimension_numbers = #tpu.dot_dimension_numbers<[1], [0], [0], [1], [0, 0, 1, 1], [], []>, precision = #tpu.contract_precision<fp32>, transpose_lhs_hint = false} : vector<1024x112xf32>, vector<112x256xf32>, vector<1024x256xf32> -> vector<1024x256xf32>
    %add3A = arith.addf %dot_general3A_8, %dot_general3A_13 : vector<1024x256xf32>
    %get3A_14 = arith.constant 0 : index
    %get3A_15 = arith.constant 0 : index
    %get3A_16 = vector.load %arg4[%get3A_14, %get3A_15] : memref<1x256xf32, #tpu.memory_space<vmem>>, vector<1x256xf32>
    %add3A_17 = vector.broadcast %get3A_16 : vector<1x256xf32> to vector<1024x256xf32>
    %add3A_18 = arith.addf %add3A, %add3A_17 : vector<1024x256xf32>
    %get3A_19 = arith.constant 0 : index
    %get3A_20 = arith.constant 0 : index
    %get3A_21 = vector.load %arg5[%get3A_19, %get3A_20] : memref<1x256xf32, #tpu.memory_space<vmem>>, vector<1x256xf32>
    %get3A_22 = arith.constant 0 : index
    %get3A_23 = arith.constant 0 : index
    %get3A_24 = vector.load %arg6[%get3A_22, %get3A_23] : memref<1x256xf32, #tpu.memory_space<vmem>>, vector<1x256xf32>
    %reduce_sum3A = arith.constant dense<0.000000e+00> : vector<1024xf32>
    %reduce_sum3A_25 = vector.multi_reduction <add>, %add3A_18, %reduce_sum3A [1] : vector<1024x256xf32> to vector<1024xf32>
    %broadcast_in_dim3A = vector.shape_cast %reduce_sum3A_25 : vector<1024xf32> to vector<1024x1xf32>
    %div3A = arith.constant 2.560000e+02 : f32
    %div3A_26 = vector.broadcast %div3A : f32 to vector<1024x1xf32>
    %div3A_27 = arith.divf %broadcast_in_dim3A, %div3A_26 : vector<1024x1xf32>
    %sub3A = vector.broadcast %div3A_27 : vector<1024x1xf32> to vector<1024x256xf32>
    %sub3A_28 = arith.subf %add3A_18, %sub3A : vector<1024x256xf32>
    %integer_pow3A = arith.mulf %sub3A_28, %sub3A_28 : vector<1024x256xf32>
    %reduce_sum3A_29 = arith.constant dense<0.000000e+00> : vector<1024xf32>
    %reduce_sum3A_30 = vector.multi_reduction <add>, %integer_pow3A, %reduce_sum3A_29 [1] : vector<1024x256xf32> to vector<1024xf32>
    %broadcast_in_dim3A_31 = vector.shape_cast %reduce_sum3A_30 : vector<1024xf32> to vector<1024x1xf32>
    %div3A_32 = arith.constant 2.560000e+02 : f32
    %div3A_33 = vector.broadcast %div3A_32 : f32 to vector<1024x1xf32>
    %div3A_34 = arith.divf %broadcast_in_dim3A_31, %div3A_33 : vector<1024x1xf32>
    %sub3A_35 = vector.broadcast %div3A_27 : vector<1024x1xf32> to vector<1024x256xf32>
    %sub3A_36 = arith.subf %add3A_18, %sub3A_35 : vector<1024x256xf32>
    %add3A_37 = arith.constant 9.99999974E-6 : f32
    %add3A_38 = vector.broadcast %add3A_37 : f32 to vector<1024x1xf32>
    %add3A_39 = arith.addf %div3A_34, %add3A_38 : vector<1024x1xf32>
    %sqrt3A = math.sqrt %add3A_39 : vector<1024x1xf32>
    %div3A_40 = vector.broadcast %sqrt3A : vector<1024x1xf32> to vector<1024x256xf32>
    %div3A_41 = arith.divf %sub3A_36, %div3A_40 : vector<1024x256xf32>
    %mul3A = vector.broadcast %get3A_21 : vector<1x256xf32> to vector<1024x256xf32>
    %mul3A_42 = arith.mulf %div3A_41, %mul3A : vector<1024x256xf32>
    %add3A_43 = vector.broadcast %get3A_24 : vector<1x256xf32> to vector<1024x256xf32>
    %add3A_44 = arith.addf %mul3A_42, %add3A_43 : vector<1024x256xf32>
    %mul3A_45 = arith.constant 5.000000e-01 : f32
    %mul3A_46 = vector.broadcast %mul3A_45 : f32 to vector<1024x256xf32>
    %mul3A_47 = arith.mulf %add3A_44, %mul3A_46 : vector<1024x256xf32>
    %mul3A_48 = arith.constant 0.707106769 : f32
    %mul3A_49 = vector.broadcast %mul3A_48 : f32 to vector<1024x256xf32>
    %mul3A_50 = arith.mulf %add3A_44, %mul3A_49 : vector<1024x256xf32>
    %erf3A = math.erf %mul3A_50 : vector<1024x256xf32>
    %add3A_51 = arith.constant 1.000000e+00 : f32
    %add3A_52 = vector.broadcast %add3A_51 : f32 to vector<1024x256xf32>
    %add3A_53 = arith.addf %add3A_52, %erf3A : vector<1024x256xf32>
    %mul3A_54 = arith.mulf %mul3A_47, %add3A_53 : vector<1024x256xf32>
    %get3A_55 = arith.constant 0 : index
    %get3A_56 = arith.constant 0 : index
    %get3A_57 = vector.load %arg7[%get3A_55, %get3A_56] : memref<256x128xf32, #tpu.memory_space<vmem>>, vector<256x128xf32>
    %dot_general3A_58 = arith.constant dense<0.000000e+00> : vector<1024x128xf32>
    %dot_general3A_59 = tpu.matmul %mul3A_54, %get3A_57, %dot_general3A_58 {dimension_numbers = #tpu.dot_dimension_numbers<[1], [0], [0], [1], [0, 0, 1, 1], [], []>, precision = #tpu.contract_precision<fp32>, transpose_lhs_hint = false} : vector<1024x256xf32>, vector<256x128xf32>, vector<1024x128xf32> -> vector<1024x128xf32>
    %get3A_60 = arith.constant 0 : index
    %get3A_61 = arith.constant 0 : index
    %get3A_62 = vector.load %arg8[%get3A_60, %get3A_61] : memref<1x128xf32, #tpu.memory_space<vmem>>, vector<1x128xf32>
    %add3A_63 = vector.broadcast %get3A_62 : vector<1x128xf32> to vector<1024x128xf32>
    %add3A_64 = arith.addf %dot_general3A_59, %add3A_63 : vector<1024x128xf32>
    %get3A_65 = arith.constant 0 : index
    %get3A_66 = arith.constant 0 : index
    %get3A_67 = vector.load %arg9[%get3A_65, %get3A_66] : memref<1x128xf32, #tpu.memory_space<vmem>>, vector<1x128xf32>
    %get3A_68 = arith.constant 0 : index
    %get3A_69 = arith.constant 0 : index
    %get3A_70 = vector.load %arg10[%get3A_68, %get3A_69] : memref<1x128xf32, #tpu.memory_space<vmem>>, vector<1x128xf32>
    %reduce_sum3A_71 = arith.constant dense<0.000000e+00> : vector<1024xf32>
    %reduce_sum3A_72 = vector.multi_reduction <add>, %add3A_64, %reduce_sum3A_71 [1] : vector<1024x128xf32> to vector<1024xf32>
    %broadcast_in_dim3A_73 = vector.shape_cast %reduce_sum3A_72 : vector<1024xf32> to vector<1024x1xf32>
    %div3A_74 = arith.constant 1.280000e+02 : f32
    %div3A_75 = vector.broadcast %div3A_74 : f32 to vector<1024x1xf32>
    %div3A_76 = arith.divf %broadcast_in_dim3A_73, %div3A_75 : vector<1024x1xf32>
    %sub3A_77 = vector.broadcast %div3A_76 : vector<1024x1xf32> to vector<1024x128xf32>
    %sub3A_78 = arith.subf %add3A_64, %sub3A_77 : vector<1024x128xf32>
    %integer_pow3A_79 = arith.mulf %sub3A_78, %sub3A_78 : vector<1024x128xf32>
    %reduce_sum3A_80 = arith.constant dense<0.000000e+00> : vector<1024xf32>
    %reduce_sum3A_81 = vector.multi_reduction <add>, %integer_pow3A_79, %reduce_sum3A_80 [1] : vector<1024x128xf32> to vector<1024xf32>
    %broadcast_in_dim3A_82 = vector.shape_cast %reduce_sum3A_81 : vector<1024xf32> to vector<1024x1xf32>
    %div3A_83 = arith.constant 1.280000e+02 : f32
    %div3A_84 = vector.broadcast %div3A_83 : f32 to vector<1024x1xf32>
    %div3A_85 = arith.divf %broadcast_in_dim3A_82, %div3A_84 : vector<1024x1xf32>
    %sub3A_86 = vector.broadcast %div3A_76 : vector<1024x1xf32> to vector<1024x128xf32>
    %sub3A_87 = arith.subf %add3A_64, %sub3A_86 : vector<1024x128xf32>
    %add3A_88 = arith.constant 9.99999974E-6 : f32
    %add3A_89 = vector.broadcast %add3A_88 : f32 to vector<1024x1xf32>
    %add3A_90 = arith.addf %div3A_85, %add3A_89 : vector<1024x1xf32>
    %sqrt3A_91 = math.sqrt %add3A_90 : vector<1024x1xf32>
    %div3A_92 = vector.broadcast %sqrt3A_91 : vector<1024x1xf32> to vector<1024x128xf32>
    %div3A_93 = arith.divf %sub3A_87, %div3A_92 : vector<1024x128xf32>
    %mul3A_94 = vector.broadcast %get3A_67 : vector<1x128xf32> to vector<1024x128xf32>
    %mul3A_95 = arith.mulf %div3A_93, %mul3A_94 : vector<1024x128xf32>
    %add3A_96 = vector.broadcast %get3A_70 : vector<1x128xf32> to vector<1024x128xf32>
    %add3A_97 = arith.addf %mul3A_95, %add3A_96 : vector<1024x128xf32>
    %mul3A_98 = arith.constant 5.000000e-01 : f32
    %mul3A_99 = vector.broadcast %mul3A_98 : f32 to vector<1024x128xf32>
    %mul3A_100 = arith.mulf %add3A_97, %mul3A_99 : vector<1024x128xf32>
    %mul3A_101 = arith.constant 0.707106769 : f32
    %mul3A_102 = vector.broadcast %mul3A_101 : f32 to vector<1024x128xf32>
    %mul3A_103 = arith.mulf %add3A_97, %mul3A_102 : vector<1024x128xf32>
    %erf3A_104 = math.erf %mul3A_103 : vector<1024x128xf32>
    %add3A_105 = arith.constant 1.000000e+00 : f32
    %add3A_106 = vector.broadcast %add3A_105 : f32 to vector<1024x128xf32>
    %add3A_107 = arith.addf %add3A_106, %erf3A_104 : vector<1024x128xf32>
    %mul3A_108 = arith.mulf %mul3A_100, %add3A_107 : vector<1024x128xf32>
    %get3A_109 = arith.constant 0 : index
    %get3A_110 = arith.constant 0 : index
    %get3A_111 = vector.load %arg11[%get3A_109, %get3A_110] : memref<128x112xf32, #tpu.memory_space<vmem>>, vector<128x112xf32>
    %dot_general3A_112 = arith.constant dense<0.000000e+00> : vector<1024x112xf32>
    %dot_general3A_113 = tpu.matmul %mul3A_108, %get3A_111, %dot_general3A_112 {dimension_numbers = #tpu.dot_dimension_numbers<[1], [0], [0], [1], [0, 0, 1, 1], [], []>, precision = #tpu.contract_precision<fp32>, transpose_lhs_hint = false} : vector<1024x128xf32>, vector<128x112xf32>, vector<1024x112xf32> -> vector<1024x112xf32>
    %get3A_114 = arith.constant 0 : index
    %get3A_115 = arith.constant 0 : index
    %get3A_116 = vector.load %arg12[%get3A_114, %get3A_115] : memref<1x112xf32, #tpu.memory_space<vmem>>, vector<1x112xf32>
    %add3A_117 = vector.broadcast %get3A_116 : vector<1x112xf32> to vector<1024x112xf32>
    %add3A_118 = arith.addf %dot_general3A_113, %add3A_117 : vector<1024x112xf32>
    %swap3A = arith.constant 0 : index
    %swap3A_119 = arith.constant 0 : index
    %swap3A_120 = vector.load %arg14[%swap3A, %swap3A_119] : memref<1024x112xf32, #tpu.memory_space<vmem>>, vector<1024x112xf32>
    tpu.vector_store %arg14[%swap3A, %swap3A_119], %add3A_118 {strides = array<i32>} : memref<1024x112xf32, #tpu.memory_space<vmem>>, vector<1024x112xf32>,
    %add3A_121 = arith.addf %get3A_1, %add3A_118 : vector<1024x112xf32>
    %swap3A_122 = arith.constant 0 : index
    %swap3A_123 = arith.constant 0 : index
    %swap3A_124 = vector.load %arg13[%swap3A_122, %swap3A_123] : memref<1024x112xf32, #tpu.memory_space<vmem>>, vector<1024x112xf32>
    tpu.vector_store %arg13[%swap3A_122, %swap3A_123], %add3A_121 {strides = array<i32>} : memref<1024x112xf32, #tpu.memory_space<vmem>>, vector<1024x112xf32>,
    return
  }
}

</mosaic_0001>

<sc_bundles>
// kernel: gather_offload_async_start
scs
__scs_entry_jumppad:
0x0: {  	(pc) =	sbr.rel $0x88, $3  }
0x1: {  	(tag) =	ssettag $0x0;
	lr =	simm.s32 $0x1  }
0x2: {  	[smem:$0x3F93] =	sst lr;
	_ =	strace $0xD0000000  }
0x3: {  	_ = 	snop  }
0x4: {  	_ = 	snop  }
0x5: {  	_ = 	snop  }
0x6: {  	_ = 	snop  }
0x7: {  	_ = 	snop  }
__scs_overlays_trampoline_lowered:
0x8: {  	[smem:$0x3FA2] =	sst s0  }
0x9: {  	[smem:$0x3FA3] =	sst s1  }
0xa: {  	[smem:$0x3FA4] =	sst s2  }
0xb: {  	[smem:$0x3FA5] =	sst s3  }
0xc: {  	[smem:$0x3FA6] =	sst s4  }
0xd: {  	[smem:$0x3FA7] =	sst s5  }
0xe: {  	[smem:$0x3FA8] =	sst s6  }
0xf: {  	[smem:$0x3FA9] =	sst s7  }
0x10: {  	[smem:$0x3FAA] =	sst s8  }
0x11: {  	[smem:$0x3FAB] =	sst s9;
	s0 =	simm.s32 @!p0 $0x0  }
0x12: {  	s1 =	sld [smem:$0x3F91];
	s0 =	simm.s32 @p0 $0x1  }
0x13: {  	[smem:$0x3FAC] =	sst s0;
	s0 =	simm.s32 @!p1 $0x0  }
0x14: {  	s2 =	sld [smem:$0x3F90];
	s0 =	simm.s32 @p1 $0x1  }
0x15: {  	[smem:$0x3FAD] =	sst s0;
	s0 =	simm.s32 @!p2 $0x0  }
0x16: {  	s3 =	sld [smem:$0x3FDB];
	s0 =	simm.s32 @p2 $0x1  }
0x17: {  	s4 =	simm.s32 $0x1BF5;
	[smem:$0x3FAF] =	sst s0  }
0x18: {  	s0 =	sld [smem:$0x3F92];
	_ =	swait.ge [sflag:s4], $0x0  }
0x19: {  	s7 =	sld [smem:$0x3F93]  }
0x1a: {  	s8 =	sadd.s32 $0xFFFFE003, lr  }
0x1b: {  	s9 =	sadd.s32 $0xFFFFFEF7, lr;
	s5 =	simm.s32 $0xFFFFFFFF;
	p2 =	slt.u32 s8, $0xFFFFF086  }
0x1c: {  	p1 =	slt.u32 s9, $0xF7A;
	s5 =	simm.s32 @!p2 $0x0  }
0x1d: {  	s5 =	simm.s32 @p1 $0x1;
	p0 =	seq.s32 s7, s2  }
0x1e: {  	s7 =	smul.u32 @!p0 $0xF7A, s2;
	p2 =	seq.s32 @!p0 s5, $0x0  }
0x1f: {  	s9 =	smul.u32 $0xF7A, s1;
	s8 =	simm.s32 @!p0 $0x1BF5;
	p2 =	por !p2, p0  }
0x20: {  	[sflag:s8] =	ssyncset.s32 @!p0 $0xFFFFF086;
	s6 =	sadd.s32 @!p0 s3, s7;
	s7 =	simm.s32 @!p0 $0x108  }
0x21: {  	s3 =	sadd.s32 s3, s9;
	s6 =	sadd.s32 @!p0 $0x88, s6;
	s7 =	simm.s32 @p2 $0x1082  }
0x22: {  	[simem:s7], [sflag:s8] =	dma.local @!p0 [hbm:s6], $0xF7A  }
0x23: {  	s9 =	sor.u32 $0xD0000000, s2;
	s6 =	simm.s32 $0x108;
	_ =	swait.ge @!p0 [sflag:s8], $0x0  }
0x24: {  	s3 =	sadd.s32 $0x88, s3;
	s6 =	simm.s32 @!p1 $0x1082;
	[sflag:s4] =	ssyncset.s32 $0xFFFFF086  }
0x25: {  	[simem:s6], [sflag:s4] =	dma.local [hbm:s3], $0xF7A  }
0x26: {  	[smem:$0x3F93] =	sst s1;
	(tag) =	ssettag s2;
	_ =	strace s9  }
0x27: {  	s1 =	sld [smem:$0x3FA3]  }
0x28: {  	s2 =	sld [smem:$0x3FA4]  }
0x29: {  	s4 =	sld [smem:$0x3FA6]  }
0x2a: {  	p0 =	seq.s32 s5, $0x0;
	s5 =	sld [smem:$0x3FA7]  }
0x2b: {  	s6 =	sld [smem:$0x3FA8]  }
0x2c: {  	s7 =	sld [smem:$0x3FA9]  }
0x2d: {  	s3 =	simm.s32 $0x108;
	s8 =	sld [smem:$0x3FAA]  }
0x2e: {  	s3 =	simm.s32 @!p0 $0x1082;
	s9 =	sld [smem:$0x3FAB]  }
0x2f: {  	lr =	sadd.s32 s0, s3;
	s0 =	sld [smem:$0x3FA2]  }
0x30: {  	s3 =	sld [smem:$0x3FA5]  }
0x31: {  	[smem:$0x3FAE] =	sst s10  }
0x32: {  	s10 =	sld [smem:$0x3FAC];
	_ =	sdelay $0x3  }
0x33: {  	p0 =	seq.s32 s10, $0x1;
	s10 =	sld [smem:$0x3FAE];
	_ =	sdelay $0x3  }
0x34: {  	[smem:$0x3FAE] =	sst s10  }
0x35: {  	s10 =	sld [smem:$0x3FAD];
	_ =	sdelay $0x3  }
0x36: {  	p1 =	seq.s32 s10, $0x1;
	s10 =	sld [smem:$0x3FAE];
	_ =	sdelay $0x3  }
0x37: {  	[smem:$0x3FAE] =	sst s10  }
0x38: {  	s10 =	sld [smem:$0x3FAF]  }
0x39: {  	_ = 	snop;
	(pc) =	sbr.ind lr, $3  }
0x3a: {  	_ = 	snop  }
0x3b: {  	_ = 	snop  }
0x3c: {  	p2 =	seq.s32 s10, $0x1;
	s10 =	sld [smem:$0x3FAE]  }
0x3d: {  	_ =	shalt  }
0x3e: {  	_ =	shalt  }
0x3f: {  	_ =	shalt  }
0x40: {  	_ =	shalt  }
0x41: {  	_ =	shalt  }
0x42: {  	_ =	shalt  }
0x43: {  	_ =	shalt  }
0x44: {  	_ =	shalt  }
0x45: {  	_ =	shalt  }
0x46: {  	_ =	shalt  }
0x47: {  	_ =	shalt  }
0x48: {  	_ =	shalt  }
0x49: {  	_ =	shalt  }
0x4a: {  	_ =	shalt  }
0x4b: {  	_ =	shalt  }
0x4c: {  	_ =	shalt  }
0x4d: {  	_ =	shalt  }
0x4e: {  	_ =	shalt  }
0x4f: {  	_ =	shalt  }
0x50: {  	_ =	shalt  }
0x51: {  	_ =	shalt  }
0x52: {  	_ =	shalt  }
0x53: {  	_ =	shalt  }
0x54: {  	_ =	shalt  }
0x55: {  	_ =	shalt  }
0x56: {  	_ =	shalt  }
0x57: {  	_ =	shalt  }
0x58: {  	_ =	shalt  }
0x59: {  	_ =	shalt  }
0x5a: {  	_ =	shalt  }
0x5b: {  	_ =	shalt  }
0x5c: {  	_ =	shalt  }
0x5d: {  	_ =	shalt  }
0x5e: {  	_ =	shalt  }
0x5f: {  	_ =	shalt  }
0x60: {  	_ =	shalt  }
0x61: {  	_ =	shalt  }
0x62: {  	_ =	shalt  }
0x63: {  	_ =	shalt  }
0x64: {  	_ =	shalt  }
0x65: {  	_ =	shalt  }
0x66: {  	_ =	shalt  }
0x67: {  	_ =	shalt  }
0x68: {  	_ =	shalt  }
0x69: {  	_ =	shalt  }
0x6a: {  	_ =	shalt  }
0x6b: {  	_ =	shalt  }
0x6c: {  	_ =	shalt  }
0x6d: {  	_ =	shalt  }
0x6e: {  	_ =	shalt  }
0x6f: {  	_ =	shalt  }
0x70: {  	_ =	shalt  }
0x71: {  	_ =	shalt  }
0x72: {  	_ =	shalt  }
0x73: {  	_ =	shalt  }
0x74: {  	_ =	shalt  }
0x75: {  	_ =	shalt  }
0x76: {  	_ =	shalt  }
0x77: {  	_ =	shalt  }
0x78: {  	_ =	shalt  }
0x79: {  	_ =	shalt  }
0x7a: {  	_ =	shalt  }
0x7b: {  	_ =	shalt  }
0x7c: {  	_ =	shalt  }
0x7d: {  	_ =	shalt  }
0x7e: {  	_ =	shalt  }
0x7f: {  	_ =	shalt  }
0x80: {  	_ =	shalt  }
0x81: {  	_ =	shalt  }
0x82: {  	_ =	shalt  }
0x83: {  	_ =	shalt  }
0x84: {  	_ =	shalt  }
0x85: {  	_ =	shalt  }
0x86: {  	_ =	shalt  }
0x87: {  	_ =	shalt  }
.Lfunc_end0:
.L_simem_size_0:
called_computation_lowered:
.L_overlay_start_0:
0x88: {  	s2 =	sld [smem:$0x3FD9]  }
0x89: {  	s3 =	sld [smem:$0x3FFE];
	_ =	sdelay $0x1  }
0x8a: {  	s1 =	srdreg.scid  }
0x8b: {  	s0 =	sand.u32 $0x1, s1  }
0x8c: {  	s14 =	sshll.u32 s0, $0xA;
	s2 =	sadd.s32 s3, s2  }
0x8d: {  	s2 =	sadd.s32 s2, s14  }
0x8e: {  	[smem:$0x3FBA] =	sst s2  }
0x8f: {  	_ = 	snop  }
0x90: {  	s2 =	sld [smem:$0x3FD0];
	_ =	sdelay $0x2  }
0x91: {  	s4 =	simm.s32 $0xA;
	s5 =	simm.s32 $0x10;
	s15 =	sld [smem:$0x3FC7]  }
0x92: {  	[smem:s5], [sflag:s4] =	dma.local [hbm:s2], $0x1  }
0x93: {  	_ =	swait.eq [sflag:s4], $0x1  }
0x94: {  	[sflag:s4] =	ssyncset.done $0x0  }
0x95: {  	[sflag:s4] =	ssyncadd.s32 $0xFFFFFFFF  }
0x96: {  	s16 =	sld [smem:$0x12];
	(tm) =	ssettm $0x1  }
0x97: {  	s17 =	sld [smem:$0x3FFB];
	_ =	sdelay $0x3  }
0x98: {  	_ =	strace s17  }
0x99: {  	s4 =	sld [smem:$0x3FFC];
	_ =	sdelay $0x3  }
0x9a: {  	_ =	strace s4  }
0x9b: {  	s4 =	sld [smem:$0x3FFD];
	_ =	sdelay $0x3  }
0x9c: {  	_ =	strace s4  }
0x9d: {  	_ =	strace $0x8FFFFFFF  }
0x9e: {  	s18 =	sld [smem:$0x3FDB];
	_ =	sdelay $0x1  }
0x9f: {  	s19 =	simm.s32 $_scs_section_size  }
0xa0: {  	s6 =	simm.s32 $_size__tile_overlayer_lowered;
	s7 =	simm.s32 $_tile_overlayer_lowered  }
0xa1: {  	s22 =	simm.s32 $0x1BFF;
	s21 =	sshll.u32 s7, $0x1;
	s4 =	sadd.s32 s19, s18  }
0xa2: {  	s8 =	simm.s32 $0x0;
	s20 =	sshll.u32 s6, $0x1;
	s6 =	sadd.s32 s21, s4  }
0xa3: {  	[timem:s8], [sflag:s22] =	dma.local [hbm:s6], s20  }
0xa4: {  	_ =	swait.ge [sflag:s22], s20  }
0xa5: {  	s5 =	ssub.s32 $0x0, s20;
	[sflag:s22] =	ssyncset.done $0x0  }
0xa6: {  	[sflag:s22] =	ssyncadd.s32 s5;
	_ =	sdelay $0x1  }
0xa7: {  	s23 =	simm.s32 $0x1B8B  }
0xa8: {  	_ =	swait.ge [sflag:s23], $0x1  }
0xa9: {  	[sflag:s23] =	ssyncset.done $0x0  }
0xaa: {  	s25 =	simm.s32 $0x1B8E;
	s24 =	sld [smem:$0x3FFE];
	[sflag:s23] =	ssyncadd.s32 $0xFFFFFFFF  }
0xab: {  	s26 =	simm.s32 $execute0_lowered;
	[smem:$0x3FD2] =	sst s25  }
0xac: {  	s6 =	sshll.u32 s26, $0x1;
	_ =	strace $0x80000046;
	[dreg:$0x1] =	wrdreg $0xFFFFFFFF  }
0xad: {  	s28 =	simm.s32 $_size_execute0_lowered;
	s4 =	sadd.s32 s4, s6;
	[dreg:$0x0] =	wrdreg $0x0  }
0xae: {  	s6 =	sshll.u32 s28, $0x1;
	[dreg:$0x2] =	wrdreg s4  }
0xaf: {  	[dreg:$0x3] =	wrdreg s6  }
0xb0: {  	[dreg:$0x4] =	wrdreg $0xC0  }
0xb1: {  	_ =	task [dreg:s8], $0x5FFFF  }
0xb2: {  	[dreg:$0x1] =	wrdreg $0xFFFFFFFF  }
0xb3: {  	[dreg:$0x0] =	wrdreg $0x60  }
0xb4: {  	[dreg:$0x2] =	wrdreg s15  }
0xb5: {  	[dreg:$0x3] =	wrdreg s16  }
0xb6: {  	[dreg:$0x4] =	wrdreg s24  }
0xb7: {  	[dreg:$0x5] =	wrdreg $0x9  }
0xb8: {  	_ =	task.clear_ibuf [dreg:s8], $0x6FFFF;
	_ =	strace $0x90000046  }
0xb9: {  	s29 =	simm.s32 $0x9;
	_ =	strace $0x80000048  }
0xba: {  	_ =	swait.ge [sflag:s29], $0x1  }
0xbb: {  	[sflag:s29] =	ssyncadd.s32 $0xFFFFFFFF  }
0xbc: {  	_ =	strace $0x90000048  }
0xbd: {  	_ =	sfence  }
0xbe: {  	s30 =	sld [smem:$0x0];
	_ =	sdelay $0x2  }
0xbf: {  	s31 =	sshll.u32 s1, $0xD;
	s1 =	sshrl.u32 s1, $0x2  }
0xc0: {  	s3 =	sand.u32 $0x4000, s31;
	s1 =	sadd.s32 s1, s30  }
0xc1: {  	s0 =	sor.u32 s3, s0;
	s1 =	sshll.u32 s1, $0x11  }
0xc2: {  	s0 =	sor.u32 s1, s0  }
0xc3: {  	s0 =	sadd.s32 $0x8F2B, s0  }
0xc4: {  	[sflag:s0] =	ssyncadd.remote.s32 $0x1  }
0xc5: {  	_ =	sfence.sel $0xFFFF  }
0xc6: {  	[dreg:$0x0] =	wrdreg $0xFFFFFFFF;
	(pc) =	sbr.abs _section_cstart, $3  }
0xc7: {  	[dreg:$0x1] =	wrdreg $0xFFFFFFFF  }
0xc8: {  	_ =	task.clear_ibuf [dreg:s8], $0x2FFFF;
	_ =	strace $0x9FFFFFFF  }
0xc9: {  	(tm) =	ssettm $0x7FFFFFFF  }
tec
execute0_lowered:
.L_overlay_start_1:
0x0: {  	(tag) =	ssettag $0x1  }
0x1: {  	s2 =	rddreg [dreg:$0x0]  }
0x2: {  	s3 =	rddreg [dreg:$0x1];
	s0 =	srdreg.scid  }
0x3: {  	s7 =	rddreg [dreg:$0x2];
	s1 =	stileid.u32;
	s6 =	simm.s32 $0x2  }
0x4: {  	s4 =	sshll.u32 s0, $0x4;
	s0 =	rddreg [dreg:$0x3];
	_ =	strace $0x80000047  }
.Ltmp0:
0x5: {  	s5 =	sand.u32 $0x10, s4;
	s4 =	simm.s32 $0x1;
	(pc) =	sbr.rel .LBB2_1-.Ltmp0, $4  }
0x6: {  	s9 =	simm.s32 $0x3;
	s5 =	sor.u32 s1, s5;
	[sflag:s4] =	ssyncpa.u1 $0x0  }
0x7: {  	s11 =	simm.s32 $0x0;
	s5 =	smul.u32 $0x8C0, s5;
	[sflag:s6] =	ssyncpa.u1 $0x0  }
0x8: {  	p0 =	por $0x0, $0x0;
	s7 =	sadd.s32 $0x4A00, s7;
	[sflag:s9] =	ssyncpa.u1 $0x0  }
0x9: {  	vm0 =	vmmov $0xff;
	vm1 =	vcmask $0x3F20;
	s9 =	simm.s32 $0x0;
	s8 =	sadd.s32 $0x8C0, s5;
	s10 =	smov.u32 s5  }
.LBB2_11:
0xa: {  	p1 =	slt.u32 s9, $0x2;
	s11 =	sadd.s32 $0x38, s10  }
0xb: {  	s13 =	smov.u32 s5;
	s9 =	sadd.s32 $0x1, s9;
	p2 =	slt.s32 s11, s8  }
0xc: {  	s13 =	smov.u32 @p2 s11;
	p2 =	sne.s32 s9, $0x2A  }
.Ltmp1:
0xd: {  	_ = 	snop;
	(pc) =	sbr.rel @!p2 .LBB2_12-.Ltmp1, $4  }
0xe: {  	s12 =	simm.s32 @!p1 $0x3  }
0xf: {  	_ =	swait.ge @!p1 [sflag:s12], $0xE000  }
0x10: {  	p0 =	por !p0, !p0;
	[sflag:s12] =	ssyncset.done @!p1 $0x0  }
0x11: {  	s11 =	smov.u32 s10;
	s10 =	smov.u32 s13;
	[sflag:s12] =	ssyncadd.s32 @!p1 $0xFFFF2000  }
.LBB2_1:
0x12: {  	p1 =	sgt.u32 s9, $0x27  }
0x13: {  	s12 =	sxor.u32 @!p1 $0xFFFFFFFF, s9  }
0x14: {  	s12 =	sand.u32 @!p1 $0x1, s12  }
0x15: {  	s12 =	smul.u32 @!p1 $0xE0, s12  }
0x16: {  	s31 =	sadd.s32 $0xFFFFFFFF, s9;
	s13 =	sshrl.u32 @!p1 s10, $0x3  }
0x17: {  	s14 =	sand.u32 @!p1 $0x7, s10;
	s13 =	sadd.s32 @!p1 s3, s13;
	s12 =	sshrl.u32 @!p1 s12, $0x2  }
0x18: {  	[tilespmem:s12], [sflag:$0x2] =	stream.linear.gather @!p1 [hbm4b:s13+s14], $0x38, $0x38;
	[tilespmem:$0x1C070] =	vst v63  }
0x19: {  	p1 =	sgt.u32 s31, $0x27  }
.Ltmp2:
0x1a: {  	_ = 	snop;
	(pc) =	sbr.rel @p1 .LBB2_11-.Ltmp2, $1  }
0x1b: {  	_ =	sdelay $0x3  }
0x1c: {  	s12 =	simm.s32 $0x1  }
0x1d: {  	s12 =	simm.s32 @!p0 $0x0  }
0x1e: {  	s12 =	smul.u32 $0x38000, s12  }
0x1f: {  	s13 =	sand.u32 $0x1, s9;
	_ =	swait.ge [sflag:s6], $0x38  }
0x20: {  	s15 =	smul.u32 $0xE0, s13;
	[sflag:s6] =	ssyncset.done $0x0;
	s14 =	sshrl.u32 s12, $0x2  }
0x21: {  	[sflag:s6] =	ssyncadd.s32 $0xFFFFFFC8;
	s12 =	sor.u32 $0x70, s14;
	s13 =	sadd.s32 $0xC070, s14  }
0x22: {  	s14 =	sshrl.u32 s15, $0x2;
	s15 =	simm.s32 $0x0;
	s16 =	smov.u32 s12  }
.LBB2_3:
0x23: {  	s17 =	sshll.u32 s15, $0x4  }
0x24: {  	s17 =	sand.u32 $0x3FFFFFF0, s17  }
0x25: {  	s17 =	sadd.s32 s17, s14  }
0x26: {  	v0 =	vld.msk [tilespmem:s17+$0x0 ss:$0x1], $0xffff;
	_ =	sdelay $0x4  }
0x27: {  	vm2 =	vgt.s32 v0, $0x0  }
0x28: {  	v0 =	vnsel vm2, $0x0, v0  }
0x29: {  	v0 =	vmin.u32 v0, $0x1869F  }
0x2a: {  	v1 =	vshll.u32 v0, $0x7;
	v0 =	vshll.u32 v0, $0x4  }
0x2b: {  	v1 =	vand.u32 $0xFFFC00, v1;
	v0 =	vand.u32 $0x70, v0  }
0x2c: {  	v0 =	vor.u32 v0, v1;
	_ =	sdelay $0x3  }
0x2d: {  	s18 =	sadd.s32 $0x0, s16  }
0x2e: {  	[tilespmem:s18], [sflag:$0x1] =	stream.indirect_vreg.gather [hbm:s2], $0x80, v0, vm0, $0x38;
	[tilespmem:$0x1C070] =	vst v63  }
0x2f: {  	s17 =	simm.s32 $0x1000;
	v1 =	vadd.s32 $0x80, v0;
	s18 =	sadd.s32 $0x2000, s18  }
.LBB2_4:
0x30: {  	[tilespmem:s18], [sflag:$0x1] =	stream.indirect_vreg.gather [hbm:s2], $0x80, v0, vm1, $0x38;
	[tilespmem:$0x1C070] =	vst v63  }
0x31: {  	v0 =	vmov v1;
	s18 =	smov.u32 s17;
	p1 =	sne.s32 s17, $0x7000  }
.Ltmp3:
0x32: {  	s17 =	sadd.s32 $0x1000, s17;
	(pc) =	sbr.rel @p1 .LBB2_4-.Ltmp3, $4  }
0x33: {  	s18 =	sshra.s32 s18, $0x2  }
0x34: {  	s18 =	sadd.s32 s18, s16  }
0x35: {  	[tilespmem:s18], [sflag:$0x1] =	stream.indirect_vreg.gather [hbm:s2], $0x80, v1, vm0, $0x38;
	[tilespmem:$0x1C070] =	vst v63  }
0x36: {  	s18 =	sadd.s32 $0x2000, s18;
	v1 =	vadd.s32 $0x80, v1  }
0x37: {  	s15 =	sadd.s32 $0x1, s15  }
0x38: {  	p1 =	sne.s32 s15, $0x3  }
.Ltmp4:
0x39: {  	_ = 	snop;
	(pc) =	sbr.rel @p1 .LBB2_3-.Ltmp4, $3  }
0x3a: {  	_ =	sdelay $0x1  }
0x3b: {  	[tilespmem:s18], [sflag:$0x1] =	stream.indirect_vreg.gather [hbm:s2], $0x80, v0, vm1, $0x38;
	[tilespmem:$0x1C070] =	vst v63  }
0x3c: {  	s16 =	sadd.s32 $0x4000, s16  }
0x3d: {  	v0 =	vld.msk [tilespmem:s14+$0x30 ss:$0x1], $0xff;
	_ =	sdelay $0x4  }
0x3e: {  	vm2 =	vgt.s32 v0, $0x0  }
0x3f: {  	v0 =	vnsel vm2, $0x0, v0  }
0x40: {  	v0 =	vmin.u32 v0, $0x1869F  }
0x41: {  	v1 =	vshll.u32 v0, $0x7;
	v0 =	vshll.u32 v0, $0x4  }
0x42: {  	v1 =	vand.u32 $0xFFFC00, v1;
	v0 =	vand.u32 $0x70, v0  }
0x43: {  	v0 =	vor.u32 v0, v1;
	_ =	sdelay $0x3  }
0x44: {  	s14 =	simm.s32 $0x1000;
	s15 =	sadd.s32 $0x0, s13  }
.LBB2_7:
0x45: {  	[tilespmem:s15], [sflag:$0x1] =	stream.indirect_vreg.gather [hbm:s2], $0x80, v0, vm0, $0x38;
	[tilespmem:$0x1C070] =	vst v63  }
0x46: {  	v0 =	vadd.s32 $0x80, v0;
	s15 =	smov.u32 s14;
	p1 =	sne.s32 s14, $0x7000  }
.Ltmp5:
0x47: {  	s14 =	sadd.s32 $0x1000, s14;
	(pc) =	sbr.rel @p1 .LBB2_7-.Ltmp5, $3  }
0x48: {  	_ =	sdelay $0x1  }
0x49: {  	s15 =	sshra.s32 s15, $0x2  }
0x4a: {  	s15 =	sadd.s32 s15, s13  }
0x4b: {  	_ =	sdelay $0x3  }
0x4c: {  	[tilespmem:s15], [sflag:$0x1] =	stream.indirect_vreg.gather [hbm:s2], $0x80, v0, vm0, $0x38;
	[tilespmem:$0x1C070] =	vst v63  }
0x4d: {  	s13 =	sshll.u32 s11, $0x7  }
0x4e: {  	s31 =	sshll.u32 s11, $0x4;
	s13 =	sand.u32 $0xFFFFFC00, s13  }
0x4f: {  	_ =	swait.ge [sflag:s4], $0xE000;
	s11 =	sand.u32 $0x70, s31;
	s13 =	sadd.s32 s13, s7  }
0x50: {  	s14 =	sadd.s32 $0x2000, s12;
	[sflag:s4] =	ssyncset.done $0x0;
	s11 =	sadd.s32 s11, s13  }
0x51: {  	[sflag:s4] =	ssyncadd.s32 $0xFFFF2000;
	s13 =	simm.s32 $0x400;
	s15 =	sadd.s32 $0x0, s11  }
.LBB2_9:
0x52: {  	[hbm:s15] =	stream.linear.scatter [tilespmem:s12], [sflag:$0x3], $0x2000, $0x38;
	[tilespmem:$0x1C070] =	vst v63  }
0x53: {  	s15 =	smov.u32 s13;
	s12 =	smov.u32 s14;
	p1 =	sne.s32 s13, $0x1800  }
.Ltmp6:
0x54: {  	s13 =	sadd.s32 $0x400, s13;
	(pc) =	sbr.rel @p1 .LBB2_9-.Ltmp6, $2  }
0x55: {  	_ =	sdelay $0x2  }
0x56: {  	s14 =	sadd.s32 $0x2000, s14;
	s15 =	sadd.s32 s15, s11  }
.Ltmp7:
0x57: {  	(pc) =	sbr.rel .LBB2_11-.Ltmp7, $2  }
0x58: {  	_ =	sdelay $0x2  }
0x59: {  	[hbm:s15] =	stream.linear.scatter [tilespmem:s12], [sflag:$0x3], $0x2000, $0x38;
	[tilespmem:$0x1C070] =	vst v63  }
.LBB2_12:
0x5a: {  	_ =	sfence.sel $0x180000  }
0x5b: {  	s2 =	simm.s32 $0x2;
	[bflag:$0x0] =	sbarrier.arrive $0xFFFF  }
0x5c: {  	s30 =	simm.s32 $0x3;
	[sflag:s2] =	ssyncpa.u1 $0x1  }
0x5d: {  	s31 =	simm.s32 $0x1;
	[sflag:s30] =	ssyncpa.u1 $0x1  }
0x5e: {  	[sflag:s31] =	ssyncpa.u1 $0x1  }
0x5f: {  	p0 =	sne.s32 s1, $0x0;
	_ =	strace $0x90000047  }
0x60: {  	s0 =	sadd.s32 @!p0 $0x100000, s0;
	[bflag:$0x2] =	sbarrier.arrive $0xFFFF  }
0x61: {  	[sflag:s0] =	ssyncadd.tile.s32 @!p0 $0x1;
	_ =	shalt  }
.Lfunc_end2:
_tile_overlayer_lowered:
.L_overlay_start_2:
0x62: {  	(tag) =	ssettag $0x2  }
0x63: {  	s0 =	rddreg [dreg:$0x0];
	s2 =	stileid.u32  }
0x64: {  	s1 =	rddreg [dreg:$0x1];
	p0 =	sne.s32 s2, $0x0  }
0x65: {  	s3 =	rddreg [dreg:$0x2];
	[bflag:$0x3] =	sbarrier.arrive $0xFFFF;
	s2 =	simm.s32 @!p0 $0x1C01  }
0x66: {  	[timem:s3], [sflag:s2] =	dma.local @!p0 [hbm:s0], s1  }
0x67: {  	s0 =	simm.s32 @!p0 $0x1  }
0x68: {  	_ =	swait.ge @!p0 [sflag:s0], s1  }
0x69: {  	s1 =	ssub.s32 @!p0 $0x0, s1;
	[sflag:s0] =	ssyncset.done @!p0 $0x0  }
0x6a: {  	[sflag:s0] =	ssyncadd.s32 @!p0 s1  }
0x6b: {  	[bflag:$0x3] =	sbarrier.arrive $0xFFFF  }
0x6c: {  	_ =	shalt  }

</sc_bundles>
